<compile_context>
chip_gen: v7x
topology: tpu7x:2x2x1
jax: 0.10.2.dev20260603
libtpu: 0.0.44.dev20260713+nightly
codegen_flags: <defaults>
</compile_context>

<pallas_src>
import functools

import jax
import jax.numpy as jnp
from jax import lax
from jax.experimental import pallas as pl
from jax.experimental.pallas import tpu as pltpu
from jax.experimental.pallas import tpu_sc as plsc


def kernel(x, table):
    seq = x.shape[1]
    emb = table.shape[1]

    info = plsc.get_sparse_core_info()
    nc = info.num_cores
    assert seq % nc == 0
    rows_per = seq // nc
    half = rows_per // 2

    mesh = plsc.ScalarSubcoreMesh(axis_name="c", num_cores=nc)

    @functools.partial(
        pl.kernel,
        mesh=mesh,
        out_type=jax.ShapeDtypeStruct((seq, emb), jnp.float32),
        scratch_types=[
            pltpu.VMEM_SHARED((2, half, emb), jnp.float32),
            pltpu.SemaphoreType.DMA,
            pltpu.SemaphoreType.DMA,
            pltpu.SemaphoreType.DMA,
        ],
    )
    def sc_copy(table_hbm, out_hbm, buf, si0, si1, so):
        cid = lax.axis_index("c")
        base = cid * rows_per
        r0 = pltpu.async_copy(table_hbm.at[pl.ds(base, half)], buf.at[0], si0)
        r1 = pltpu.async_copy(
            table_hbm.at[pl.ds(base + half, half)], buf.at[1], si1
        )
        r0.wait()
        w0 = pltpu.async_copy(buf.at[0], out_hbm.at[pl.ds(base, half)], so)
        r1.wait()
        w1 = pltpu.async_copy(
            buf.at[1], out_hbm.at[pl.ds(base + half, half)], so
        )
        w0.wait()
        w1.wait()

    return sc_copy(table)

# --- scband reference (transcript-rebuilt; emitter-appended) ---
"""Pipeline reference for scband-gene2-vec-positional-embedding-3478923509948 (READ-ONLY COPY).

The authoritative reference and input builder live on the scoring server;
editing this copy changes nothing except your own understanding.
"""

import jax, jax.numpy as jnp
import numpy as np

MAX_SEQ_LEN = 16907
EMB_DIM = 200

def setup_inputs(seed: int = 0) -> dict:
    key = jax.random.key(seed)
    k1, k2 = jax.random.split(key)
    # token/id tensor; only its shape[1] is used by the module
    x = jax.random.randint(k1, (4, 8192), 0, MAX_SEQ_LEN)
    # gene2vec table: (max_seq_len - 1) random rows + one zero row, as in __init__
    w = jax.random.normal(k2, (MAX_SEQ_LEN - 1, EMB_DIM), dtype=jnp.float32)
    table = jnp.concatenate([w, jnp.zeros((1, EMB_DIM), dtype=jnp.float32)], axis=0)
    return {"x": x, "table": table}

def reference(x, table):
    # forward: t = arange(x.shape[1]); return emb(t)
    t = jnp.arange(x.shape[1])
    return jnp.take(table, t, axis=0)

if __name__ == "__main__":
    import jax
    _d = setup_inputs()
    print(jax.jit(kernel)(*tuple(_d.values())))

</pallas_src>

<mosaic_0001>
#map = affine_map<(d0) -> (0, 0)>
module attributes {stable_mosaic.version = 14 : i64} {
  func.func @sc_copy(%arg0: i32, %arg1: memref<16907x200xf32, #tpu.memory_space<hbm>>, %arg2: memref<8192x200xf32, #tpu.memory_space<hbm>>, %arg3: memref<2x2048x200xf32, #tpu.memory_space<vmem_shared>>, %arg4: memref<!tpu.dma_semaphore, #tpu.memory_space<semaphore_mem>>, %arg5: memref<!tpu.dma_semaphore, #tpu.memory_space<semaphore_mem>>, %arg6: memref<!tpu.dma_semaphore, #tpu.memory_space<semaphore_mem>>) attributes {dimension_semantics = [#tpu.dimension_semantics<core_parallel>], iteration_bounds = array<i64: 2>, scalar_prefetch = 0 : i64, scratch_operands = 4 : i64, tpu.core_type = #tpu.core_type<sc_scalar_subcore>, window_params = [{transform_indices = #map}, {transform_indices = #map}]} {
    %mul3A = arith.constant 4096 : i32
    %mul3A_0 = arith.muli %arg0, %mul3A : i32
    %dma_start3A = arith.constant 0 : i32
    %dma_start3A_1 = arith.constant 0 : i32
    %dma_start3A_2 = arith.constant 0 : i32
    %dma_start3A_3 = tpu.memref_slice %arg3[%dma_start3A, %dma_start3A_1, %dma_start3A_2] : memref<2x2048x200xf32, #tpu.memory_space<vmem_shared>> -> memref<1x2048x200xf32, #tpu.memory_space<vmem_shared>>
    %dma_start3A_4 = tpu.memref_squeeze %dma_start3A_3 : memref<1x2048x200xf32, #tpu.memory_space<vmem_shared>> -> memref<2048x200xf32, #tpu.memory_space<vmem_shared>>
    %dma_start3A_5 = arith.constant 0 : i32
    %dma_start3A_6 = tpu.memref_slice %arg1[%mul3A_0, %dma_start3A_5] : memref<16907x200xf32, #tpu.memory_space<hbm>> -> memref<2048x200xf32, #tpu.memory_space<hbm>>
    tpu.enqueue_dma source(%dma_start3A_6 : memref<2048x200xf32, #tpu.memory_space<hbm>>) target(%dma_start3A_4 : memref<2048x200xf32, #tpu.memory_space<vmem_shared>>) target_semaphore(%arg4 : memref<!tpu.dma_semaphore, #tpu.memory_space<semaphore_mem>>)
    %add3A = arith.constant 2048 : i32
    %add3A_7 = arith.addi %mul3A_0, %add3A : i32
    %dma_start3A_8 = arith.constant 1 : i32
    %dma_start3A_9 = arith.constant 0 : i32
    %dma_start3A_10 = arith.constant 0 : i32
    %dma_start3A_11 = tpu.memref_slice %arg3[%dma_start3A_8, %dma_start3A_9, %dma_start3A_10] : memref<2x2048x200xf32, #tpu.memory_space<vmem_shared>> -> memref<1x2048x200xf32, #tpu.memory_space<vmem_shared>>
    %dma_start3A_12 = tpu.memref_squeeze %dma_start3A_11 : memref<1x2048x200xf32, #tpu.memory_space<vmem_shared>> -> memref<2048x200xf32, #tpu.memory_space<vmem_shared>>
    %dma_start3A_13 = arith.constant 0 : i32
    %dma_start3A_14 = tpu.memref_slice %arg1[%add3A_7, %dma_start3A_13] : memref<16907x200xf32, #tpu.memory_space<hbm>> -> memref<2048x200xf32, #tpu.memory_space<hbm>>
    tpu.enqueue_dma source(%dma_start3A_14 : memref<2048x200xf32, #tpu.memory_space<hbm>>) target(%dma_start3A_12 : memref<2048x200xf32, #tpu.memory_space<vmem_shared>>) target_semaphore(%arg5 : memref<!tpu.dma_semaphore, #tpu.memory_space<semaphore_mem>>)
    %dma_wait3A = arith.constant 0 : i32
    %dma_wait3A_15 = arith.constant 0 : i32
    %dma_wait3A_16 = arith.constant 0 : i32
    %dma_wait3A_17 = tpu.memref_slice %arg3[%dma_wait3A, %dma_wait3A_15, %dma_wait3A_16] : memref<2x2048x200xf32, #tpu.memory_space<vmem_shared>> -> memref<1x2048x200xf32, #tpu.memory_space<vmem_shared>>
    %dma_wait3A_18 = tpu.memref_squeeze %dma_wait3A_17 : memref<1x2048x200xf32, #tpu.memory_space<vmem_shared>> -> memref<2048x200xf32, #tpu.memory_space<vmem_shared>>
    %dma_wait3A_19 = arith.constant 0 : i32
    %dma_wait3A_20 = tpu.memref_slice %arg1[%mul3A_0, %dma_wait3A_19] : memref<16907x200xf32, #tpu.memory_space<hbm>> -> memref<2048x200xf32, #tpu.memory_space<hbm>>
    tpu.wait_dma2 semaphore(%arg4 : memref<!tpu.dma_semaphore, #tpu.memory_space<semaphore_mem>>) src(%dma_wait3A_20 : memref<2048x200xf32, #tpu.memory_space<hbm>>) dst(%dma_wait3A_18 : memref<2048x200xf32, #tpu.memory_space<vmem_shared>>)
    %dma_start3A_21 = arith.constant 0 : i32
    %dma_start3A_22 = arith.constant 0 : i32
    %dma_start3A_23 = tpu.memref_slice %arg2[%mul3A_0, %dma_start3A_22] : memref<8192x200xf32, #tpu.memory_space<hbm>> -> memref<2048x200xf32, #tpu.memory_space<hbm>>
    %dma_start3A_24 = arith.constant 0 : i32
    %dma_start3A_25 = arith.constant 0 : i32
    %dma_start3A_26 = tpu.memref_slice %arg3[%dma_start3A_21, %dma_start3A_24, %dma_start3A_25] : memref<2x2048x200xf32, #tpu.memory_space<vmem_shared>> -> memref<1x2048x200xf32, #tpu.memory_space<vmem_shared>>
    %dma_start3A_27 = tpu.memref_squeeze %dma_start3A_26 : memref<1x2048x200xf32, #tpu.memory_space<vmem_shared>> -> memref<2048x200xf32, #tpu.memory_space<vmem_shared>>
    tpu.enqueue_dma source(%dma_start3A_27 : memref<2048x200xf32, #tpu.memory_space<vmem_shared>>) target(%dma_start3A_23 : memref<2048x200xf32, #tpu.memory_space<hbm>>) target_semaphore(%arg6 : memref<!tpu.dma_semaphore, #tpu.memory_space<semaphore_mem>>)
    %dma_wait3A_28 = arith.constant 1 : i32
    %dma_wait3A_29 = arith.constant 0 : i32
    %dma_wait3A_30 = arith.constant 0 : i32
    %dma_wait3A_31 = tpu.memref_slice %arg3[%dma_wait3A_28, %dma_wait3A_29, %dma_wait3A_30] : memref<2x2048x200xf32, #tpu.memory_space<vmem_shared>> -> memref<1x2048x200xf32, #tpu.memory_space<vmem_shared>>
    %dma_wait3A_32 = tpu.memref_squeeze %dma_wait3A_31 : memref<1x2048x200xf32, #tpu.memory_space<vmem_shared>> -> memref<2048x200xf32, #tpu.memory_space<vmem_shared>>
    %dma_wait3A_33 = arith.constant 0 : i32
    %dma_wait3A_34 = tpu.memref_slice %arg1[%add3A_7, %dma_wait3A_33] : memref<16907x200xf32, #tpu.memory_space<hbm>> -> memref<2048x200xf32, #tpu.memory_space<hbm>>
    tpu.wait_dma2 semaphore(%arg5 : memref<!tpu.dma_semaphore, #tpu.memory_space<semaphore_mem>>) src(%dma_wait3A_34 : memref<2048x200xf32, #tpu.memory_space<hbm>>) dst(%dma_wait3A_32 : memref<2048x200xf32, #tpu.memory_space<vmem_shared>>)
    %add3A_35 = arith.constant 2048 : i32
    %add3A_36 = arith.addi %mul3A_0, %add3A_35 : i32
    %dma_start3A_37 = arith.constant 1 : i32
    %dma_start3A_38 = arith.constant 0 : i32
    %dma_start3A_39 = tpu.memref_slice %arg2[%add3A_36, %dma_start3A_38] : memref<8192x200xf32, #tpu.memory_space<hbm>> -> memref<2048x200xf32, #tpu.memory_space<hbm>>
    %dma_start3A_40 = arith.constant 0 : i32
    %dma_start3A_41 = arith.constant 0 : i32
    %dma_start3A_42 = tpu.memref_slice %arg3[%dma_start3A_37, %dma_start3A_40, %dma_start3A_41] : memref<2x2048x200xf32, #tpu.memory_space<vmem_shared>> -> memref<1x2048x200xf32, #tpu.memory_space<vmem_shared>>
    %dma_start3A_43 = tpu.memref_squeeze %dma_start3A_42 : memref<1x2048x200xf32, #tpu.memory_space<vmem_shared>> -> memref<2048x200xf32, #tpu.memory_space<vmem_shared>>
    tpu.enqueue_dma source(%dma_start3A_43 : memref<2048x200xf32, #tpu.memory_space<vmem_shared>>) target(%dma_start3A_39 : memref<2048x200xf32, #tpu.memory_space<hbm>>) target_semaphore(%arg6 : memref<!tpu.dma_semaphore, #tpu.memory_space<semaphore_mem>>)
    %dma_wait3A_44 = arith.constant 0 : i32
    %dma_wait3A_45 = arith.constant 0 : i32
    %dma_wait3A_46 = tpu.memref_slice %arg2[%mul3A_0, %dma_wait3A_45] : memref<8192x200xf32, #tpu.memory_space<hbm>> -> memref<2048x200xf32, #tpu.memory_space<hbm>>
    %dma_wait3A_47 = arith.constant 0 : i32
    %dma_wait3A_48 = arith.constant 0 : i32
    %dma_wait3A_49 = tpu.memref_slice %arg3[%dma_wait3A_44, %dma_wait3A_47, %dma_wait3A_48] : memref<2x2048x200xf32, #tpu.memory_space<vmem_shared>> -> memref<1x2048x200xf32, #tpu.memory_space<vmem_shared>>
    %dma_wait3A_50 = tpu.memref_squeeze %dma_wait3A_49 : memref<1x2048x200xf32, #tpu.memory_space<vmem_shared>> -> memref<2048x200xf32, #tpu.memory_space<vmem_shared>>
    tpu.wait_dma2 semaphore(%arg6 : memref<!tpu.dma_semaphore, #tpu.memory_space<semaphore_mem>>) src(%dma_wait3A_50 : memref<2048x200xf32, #tpu.memory_space<vmem_shared>>) dst(%dma_wait3A_46 : memref<2048x200xf32, #tpu.memory_space<hbm>>)
    %dma_wait3A_51 = arith.constant 1 : i32
    %dma_wait3A_52 = arith.constant 0 : i32
    %dma_wait3A_53 = tpu.memref_slice %arg2[%add3A_36, %dma_wait3A_52] : memref<8192x200xf32, #tpu.memory_space<hbm>> -> memref<2048x200xf32, #tpu.memory_space<hbm>>
    %dma_wait3A_54 = arith.constant 0 : i32
    %dma_wait3A_55 = arith.constant 0 : i32
    %dma_wait3A_56 = tpu.memref_slice %arg3[%dma_wait3A_51, %dma_wait3A_54, %dma_wait3A_55] : memref<2x2048x200xf32, #tpu.memory_space<vmem_shared>> -> memref<1x2048x200xf32, #tpu.memory_space<vmem_shared>>
    %dma_wait3A_57 = tpu.memref_squeeze %dma_wait3A_56 : memref<1x2048x200xf32, #tpu.memory_space<vmem_shared>> -> memref<2048x200xf32, #tpu.memory_space<vmem_shared>>
    tpu.wait_dma2 semaphore(%arg6 : memref<!tpu.dma_semaphore, #tpu.memory_space<semaphore_mem>>) src(%dma_wait3A_57 : memref<2048x200xf32, #tpu.memory_space<vmem_shared>>) dst(%dma_wait3A_53 : memref<2048x200xf32, #tpu.memory_space<hbm>>)
    return
  }
}

</mosaic_0001>

<sc_bundles>
// kernel: kernel.3.cloned.1.call-start
scs
__scs_entry_jumppad:
0x0: {  	(pc) =	sbr.rel $0x88, $3  }
0x1: {  	(tag) =	ssettag $0x0;
	lr =	simm.s32 $0x1  }
0x2: {  	[smem:$0x3FA0] =	sst lr;
	_ =	strace $0xD0000000  }
0x3: {  	_ = 	snop  }
0x4: {  	_ = 	snop  }
0x5: {  	_ = 	snop  }
0x6: {  	_ = 	snop  }
0x7: {  	_ = 	snop  }
__scs_overlays_trampoline_lowered:
0x8: {  	[smem:$0x3FAF] =	sst s0  }
0x9: {  	[smem:$0x3FB0] =	sst s1  }
0xa: {  	[smem:$0x3FB1] =	sst s2  }
0xb: {  	[smem:$0x3FB2] =	sst s3  }
0xc: {  	[smem:$0x3FB3] =	sst s4  }
0xd: {  	[smem:$0x3FB4] =	sst s5  }
0xe: {  	[smem:$0x3FB5] =	sst s6  }
0xf: {  	[smem:$0x3FB6] =	sst s7  }
0x10: {  	[smem:$0x3FB7] =	sst s8  }
0x11: {  	[smem:$0x3FB8] =	sst s9;
	s0 =	simm.s32 @!p0 $0x0  }
0x12: {  	s1 =	sld [smem:$0x3F9E];
	s0 =	simm.s32 @p0 $0x1  }
0x13: {  	[smem:$0x3FB9] =	sst s0;
	s0 =	simm.s32 @!p1 $0x0  }
0x14: {  	s2 =	sld [smem:$0x3F9D];
	s0 =	simm.s32 @p1 $0x1  }
0x15: {  	[smem:$0x3FBA] =	sst s0;
	s0 =	simm.s32 @!p2 $0x0  }
0x16: {  	s3 =	sld [smem:$0x3FDB];
	s0 =	simm.s32 @p2 $0x1  }
0x17: {  	s4 =	simm.s32 $0x1BF5;
	[smem:$0x3FBC] =	sst s0  }
0x18: {  	s0 =	sld [smem:$0x3F9F];
	_ =	swait.ge [sflag:s4], $0x0  }
0x19: {  	s7 =	sld [smem:$0x3FA0]  }
0x1a: {  	s8 =	sadd.s32 $0xFFFFE003, lr  }
0x1b: {  	s9 =	sadd.s32 $0xFFFFFEF7, lr;
	s5 =	simm.s32 $0xFFFFFFFF;
	p2 =	slt.u32 s8, $0xFFFFF086  }
0x1c: {  	p1 =	slt.u32 s9, $0xF7A;
	s5 =	simm.s32 @!p2 $0x0  }
0x1d: {  	s5 =	simm.s32 @p1 $0x1;
	p0 =	seq.s32 s7, s2  }
0x1e: {  	s7 =	smul.u32 @!p0 $0xF7A, s2;
	p2 =	seq.s32 @!p0 s5, $0x0  }
0x1f: {  	s9 =	smul.u32 $0xF7A, s1;
	s8 =	simm.s32 @!p0 $0x1BF5;
	p2 =	por !p2, p0  }
0x20: {  	[sflag:s8] =	ssyncset.s32 @!p0 $0xFFFFF086;
	s6 =	sadd.s32 @!p0 s3, s7;
	s7 =	simm.s32 @!p0 $0x108  }
0x21: {  	s3 =	sadd.s32 s3, s9;
	s6 =	sadd.s32 @!p0 $0x88, s6;
	s7 =	simm.s32 @p2 $0x1082  }
0x22: {  	[simem:s7], [sflag:s8] =	dma.local @!p0 [hbm:s6], $0xF7A  }
0x23: {  	s9 =	sor.u32 $0xD0000000, s2;
	s6 =	simm.s32 $0x108;
	_ =	swait.ge @!p0 [sflag:s8], $0x0  }
0x24: {  	s3 =	sadd.s32 $0x88, s3;
	s6 =	simm.s32 @!p1 $0x1082;
	[sflag:s4] =	ssyncset.s32 $0xFFFFF086  }
0x25: {  	[simem:s6], [sflag:s4] =	dma.local [hbm:s3], $0xF7A  }
0x26: {  	[smem:$0x3FA0] =	sst s1;
	(tag) =	ssettag s2;
	_ =	strace s9  }
0x27: {  	s1 =	sld [smem:$0x3FB0]  }
0x28: {  	s2 =	sld [smem:$0x3FB1]  }
0x29: {  	s4 =	sld [smem:$0x3FB3]  }
0x2a: {  	p0 =	seq.s32 s5, $0x0;
	s5 =	sld [smem:$0x3FB4]  }
0x2b: {  	s6 =	sld [smem:$0x3FB5]  }
0x2c: {  	s7 =	sld [smem:$0x3FB6]  }
0x2d: {  	s3 =	simm.s32 $0x108;
	s8 =	sld [smem:$0x3FB7]  }
0x2e: {  	s3 =	simm.s32 @!p0 $0x1082;
	s9 =	sld [smem:$0x3FB8]  }
0x2f: {  	lr =	sadd.s32 s0, s3;
	s0 =	sld [smem:$0x3FAF]  }
0x30: {  	s3 =	sld [smem:$0x3FB2]  }
0x31: {  	[smem:$0x3FBB] =	sst s10  }
0x32: {  	s10 =	sld [smem:$0x3FB9];
	_ =	sdelay $0x3  }
0x33: {  	p0 =	seq.s32 s10, $0x1;
	s10 =	sld [smem:$0x3FBB];
	_ =	sdelay $0x3  }
0x34: {  	[smem:$0x3FBB] =	sst s10  }
0x35: {  	s10 =	sld [smem:$0x3FBA];
	_ =	sdelay $0x3  }
0x36: {  	p1 =	seq.s32 s10, $0x1;
	s10 =	sld [smem:$0x3FBB];
	_ =	sdelay $0x3  }
0x37: {  	[smem:$0x3FBB] =	sst s10  }
0x38: {  	s10 =	sld [smem:$0x3FBC]  }
0x39: {  	_ = 	snop;
	(pc) =	sbr.ind lr, $3  }
0x3a: {  	_ = 	snop  }
0x3b: {  	_ = 	snop  }
0x3c: {  	p2 =	seq.s32 s10, $0x1;
	s10 =	sld [smem:$0x3FBB]  }
0x3d: {  	_ =	shalt  }
0x3e: {  	_ =	shalt  }
0x3f: {  	_ =	shalt  }
0x40: {  	_ =	shalt  }
0x41: {  	_ =	shalt  }
0x42: {  	_ =	shalt  }
0x43: {  	_ =	shalt  }
0x44: {  	_ =	shalt  }
0x45: {  	_ =	shalt  }
0x46: {  	_ =	shalt  }
0x47: {  	_ =	shalt  }
0x48: {  	_ =	shalt  }
0x49: {  	_ =	shalt  }
0x4a: {  	_ =	shalt  }
0x4b: {  	_ =	shalt  }
0x4c: {  	_ =	shalt  }
0x4d: {  	_ =	shalt  }
0x4e: {  	_ =	shalt  }
0x4f: {  	_ =	shalt  }
0x50: {  	_ =	shalt  }
0x51: {  	_ =	shalt  }
0x52: {  	_ =	shalt  }
0x53: {  	_ =	shalt  }
0x54: {  	_ =	shalt  }
0x55: {  	_ =	shalt  }
0x56: {  	_ =	shalt  }
0x57: {  	_ =	shalt  }
0x58: {  	_ =	shalt  }
0x59: {  	_ =	shalt  }
0x5a: {  	_ =	shalt  }
0x5b: {  	_ =	shalt  }
0x5c: {  	_ =	shalt  }
0x5d: {  	_ =	shalt  }
0x5e: {  	_ =	shalt  }
0x5f: {  	_ =	shalt  }
0x60: {  	_ =	shalt  }
0x61: {  	_ =	shalt  }
0x62: {  	_ =	shalt  }
0x63: {  	_ =	shalt  }
0x64: {  	_ =	shalt  }
0x65: {  	_ =	shalt  }
0x66: {  	_ =	shalt  }
0x67: {  	_ =	shalt  }
0x68: {  	_ =	shalt  }
0x69: {  	_ =	shalt  }
0x6a: {  	_ =	shalt  }
0x6b: {  	_ =	shalt  }
0x6c: {  	_ =	shalt  }
0x6d: {  	_ =	shalt  }
0x6e: {  	_ =	shalt  }
0x6f: {  	_ =	shalt  }
0x70: {  	_ =	shalt  }
0x71: {  	_ =	shalt  }
0x72: {  	_ =	shalt  }
0x73: {  	_ =	shalt  }
0x74: {  	_ =	shalt  }
0x75: {  	_ =	shalt  }
0x76: {  	_ =	shalt  }
0x77: {  	_ =	shalt  }
0x78: {  	_ =	shalt  }
0x79: {  	_ =	shalt  }
0x7a: {  	_ =	shalt  }
0x7b: {  	_ =	shalt  }
0x7c: {  	_ =	shalt  }
0x7d: {  	_ =	shalt  }
0x7e: {  	_ =	shalt  }
0x7f: {  	_ =	shalt  }
0x80: {  	_ =	shalt  }
0x81: {  	_ =	shalt  }
0x82: {  	_ =	shalt  }
0x83: {  	_ =	shalt  }
0x84: {  	_ =	shalt  }
0x85: {  	_ =	shalt  }
0x86: {  	_ =	shalt  }
0x87: {  	_ =	shalt  }
.Lfunc_end0:
.L_simem_size_0:
called_computation_lowered:
.L_overlay_start_0:
0x88: {  	s0 =	sld [smem:$0x3FD9]  }
0x89: {  	s1 =	sld [smem:$0x3FFE];
	_ =	sdelay $0x1  }
0x8a: {  	s2 =	srdreg.scid  }
0x8b: {  	s3 =	sand.u32 $0x1, s2  }
0x8c: {  	s19 =	sshll.u32 s3, $0xA;
	s0 =	sadd.s32 s1, s0  }
0x8d: {  	s0 =	sadd.s32 s0, s19  }
0x8e: {  	s20 =	simm.s32 $0x0;
	[smem:$0x3FC7] =	sst s0  }
0x8f: {  	[smem:$0xF] =	sst s20  }
0x90: {  	(tm) =	ssettm $0x1  }
0x91: {  	s21 =	sld [smem:$0x3FFB];
	_ =	sdelay $0x3  }
0x92: {  	_ =	strace s21  }
0x93: {  	s1 =	sld [smem:$0x3FFC];
	_ =	sdelay $0x3  }
0x94: {  	_ =	strace s1  }
0x95: {  	s1 =	sld [smem:$0x3FFD];
	_ =	sdelay $0x3  }
0x96: {  	_ =	strace s1  }
0x97: {  	s22 =	simm.s32 $0x1B8B;
	_ =	strace $0x8FFFFFFF  }
0x98: {  	_ =	swait.ge [sflag:s22], $0x1  }
0x99: {  	s4 =	sld [smem:$0x3FFE]  }
0x9a: {  	s23 =	simm.s32 $0x1B8E  }
0x9b: {  	s7 =	simm.s32 $0x9;
	s8 =	simm.s32 $0xA;
	[sflag:s22] =	ssyncset.done $0x0  }
0x9c: {  	s9 =	simm.s32 $0x10000;
	s5 =	sshll.u32 s3, $0x11;
	[sflag:s22] =	ssyncadd.s32 $0xFFFFFFFF  }
0x9d: {  	s25 =	sor.u32 $0x10000, s5;
	[smem:$0x3FD2] =	sst s23;
	s24 =	sadd.s32 $0x400, s4  }
0x9e: {  	_ =	strace $0x80000046;
	s6 =	sadd.s32 s5, s24;
	s1 =	sadd.s32 s25, s24  }
0x9f: {  	[spmem:s20], [sflag:s7] =	dma.local [hbm:s6], $0x10000  }
0xa0: {  	[spmem:s9], [sflag:s8] =	dma.local [hbm:s1], $0x10000  }
0xa1: {  	_ =	swait.ge [sflag:s7], $0x10000  }
0xa2: {  	[sflag:s7] =	ssyncset.done $0x0  }
0xa3: {  	s26 =	sadd.s32 $0x84600, s4;
	[sflag:s7] =	ssyncadd.s32 $0xFFFF0000  }
0xa4: {  	s28 =	simm.s32 $0xB;
	s4 =	sadd.s32 s5, s26  }
0xa5: {  	[hbm:s4], [sflag:s28] =	dma.local [spmem:s20], $0x10000  }
0xa6: {  	_ =	swait.ge [sflag:s8], $0x10000  }
0xa7: {  	[sflag:s8] =	ssyncset.done $0x0  }
0xa8: {  	[sflag:s8] =	ssyncadd.s32 $0xFFFF0000  }
0xa9: {  	s29 =	sadd.s32 s25, s26  }
0xaa: {  	[hbm:s29], [sflag:s28] =	dma.local [spmem:s9], $0x10000  }
0xab: {  	_ =	swait.ge [sflag:s28], $0x10000  }
0xac: {  	[sflag:s28] =	ssyncset.done $0x0  }
0xad: {  	[sflag:s28] =	ssyncadd.s32 $0xFFFF0000;
	_ =	sdelay $0x2  }
0xae: {  	_ =	swait.ge [sflag:s28], $0x10000  }
0xaf: {  	[sflag:s28] =	ssyncset.done $0x0  }
0xb0: {  	[sflag:s28] =	ssyncadd.s32 $0xFFFF0000  }
0xb1: {  	_ =	strace $0x90000046  }
0xb2: {  	_ =	sfence  }
0xb3: {  	s30 =	sld [smem:$0x0];
	_ =	sdelay $0x2  }
0xb4: {  	s31 =	sshll.u32 s2, $0xD;
	s2 =	sshrl.u32 s2, $0x2  }
0xb5: {  	s1 =	sand.u32 $0x4000, s31;
	s0 =	sadd.s32 s2, s30  }
0xb6: {  	s1 =	sor.u32 s1, s3;
	s0 =	sshll.u32 s0, $0x11  }
0xb7: {  	s0 =	sor.u32 s0, s1  }
0xb8: {  	s0 =	sadd.s32 $0x8F2B, s0;
	(pc) =	sbr.abs _section_cstart, $3  }
0xb9: {  	[sflag:s0] =	ssyncadd.remote.s32 $0x1  }
0xba: {  	_ =	strace $0x9FFFFFFF  }
0xbb: {  	(tm) =	ssettm $0x7FFFFFFF  }

</sc_bundles>
